<compile_context>
chip_gen: v7x
topology: tpu7x:2x2x1
jax: 0.10.2.dev20260603
libtpu: 0.0.44.dev20260713+nightly
codegen_flags: <defaults>
</compile_context>

<pallas_src>
import functools

import jax
import jax.numpy as jnp
from jax import lax
from jax.experimental import pallas as pl
from jax.experimental.pallas import tpu as pltpu
from jax.experimental.pallas import tpu_sc as plsc

_G = 2
_V = 320
_GV = _G * _V
_D = 128
_H = 512
_N = 2048
_BLK = 1024
_NBLK = _N // _BLK

_NC = 2
_NS = 16
_NW = _NC * _NS
_BPW = _N * _G // _NW


def _tc_body(x_ref, w_ref, b_ref, idx_ref, perp_ref, cnt_ref):
    i = pl.program_id(0)
    hs = jnp.dot(x_ref[...], w_ref[...], preferred_element_type=jnp.float32)
    hs = hs + b_ref[...]
    c = lax.broadcasted_iota(jnp.int32, (_BLK, _GV), 1)
    g0 = c < _V
    neg = jnp.float32(-jnp.inf)
    m0 = jnp.max(jnp.where(g0, hs, neg), axis=1, keepdims=True)
    m1 = jnp.max(jnp.where(g0, neg, hs), axis=1, keepdims=True)
    big = jnp.int32(1 << 30)
    i0 = jnp.min(jnp.where(g0 & (hs == m0), c, big), axis=1, keepdims=True)
    i1 = jnp.min(jnp.where((~g0) & (hs == m1), c, big), axis=1, keepdims=True)
    pair = jnp.concatenate([i0, i1], axis=1)
    idx_ref[...] = pair.T
    onehot = ((c == i0) | (c == i1)).astype(jnp.float32)
    part = jnp.sum(onehot, axis=0, keepdims=True)

    @pl.when(i == 0)
    def _():
        cnt_ref[...] = part

    @pl.when(i > 0)
    def _():
        cnt_ref[...] += part

    @pl.when(i == _NBLK - 1)
    def _():
        p = cnt_ref[...] * jnp.float32(1.0 / _N)
        t = p * jnp.log(p + jnp.float32(1e-7))
        cv = lax.broadcasted_iota(jnp.int32, (1, _GV), 1)
        e0 = -jnp.sum(jnp.where(cv < _V, t, 0.0), axis=1, keepdims=True)
        e1 = -jnp.sum(jnp.where(cv >= _V, t, 0.0), axis=1, keepdims=True)
        perp_ref[...] = jnp.exp(e0) + jnp.exp(e1)


_tc_call = pl.pallas_call(
    _tc_body,
    grid=(_NBLK,),
    in_specs=[
        pl.BlockSpec((_BLK, _H), lambda i: (i, 0)),
        pl.BlockSpec((_H, _GV), lambda i: (0, 0)),
        pl.BlockSpec((1, _GV), lambda i: (0, 0)),
    ],
    out_specs=[
        pl.BlockSpec((2, _BLK), lambda i: (0, i)),
        pl.BlockSpec((1, 1), lambda i: (0, 0)),
    ],
    out_shape=[
        jax.ShapeDtypeStruct((2, _N), jnp.int32),
        jax.ShapeDtypeStruct((1, 1), jnp.float32),
    ],
    scratch_shapes=[pltpu.VMEM((1, _GV), jnp.float32)],
)


@functools.partial(
    pl.kernel,
    mesh=plsc.VectorSubcoreMesh(core_axis_name="c", subcore_axis_name="s"),
    out_type=jax.ShapeDtypeStruct((_N, _G, _D), jnp.float32),
    scratch_types=[
        pltpu.VMEM((_BPW,), jnp.int32),
        pltpu.VMEM((_BPW, _D), jnp.float32),
        pltpu.SemaphoreType.DMA,
    ],
)
def _sc_gather(table_hbm, idx_hbm, out_hbm, idx_v, rows_v, sem):
    wid = lax.axis_index("s") * _NC + lax.axis_index("c")
    g = wid & 1
    n0 = (wid >> 1) * _BPW
    pltpu.sync_copy(idx_hbm.at[g, pl.ds(n0, _BPW)], idx_v)
    pltpu.async_copy(table_hbm.at[idx_v], rows_v, sem).wait()
    pltpu.sync_copy(rows_v, out_hbm.at[pl.ds(n0, _BPW), g])


def kernel(hidden_states, W_proj, b_proj, codevectors):
    batch, seq, hidden = hidden_states.shape
    x = hidden_states.reshape(batch * seq, hidden)
    b2 = b_proj.reshape(1, _GV)
    idx2, perp = _tc_call(x, W_proj, b2)
    table = codevectors.reshape(_GV, _D)
    rows = _sc_gather(table, idx2)
    cv = rows.reshape(batch, seq, _G * _D)
    return cv, perp.reshape(())

# --- scband reference (transcript-rebuilt; emitter-appended) ---
"""Pipeline reference for scband-wav2-vec2-gumbel-vector-quantizer-16578573763565 (READ-ONLY COPY).

The authoritative reference and input builder live on the scoring server;
editing this copy changes nothing except your own understanding.
"""

import jax, jax.numpy as jnp
import numpy as np

NUM_GROUPS = 2
NUM_VARS = 320
CODEVECTOR_DIM = 256
HIDDEN = 512
B, S = 4, 512


def setup_inputs(seed: int = 0) -> dict:
    key = jax.random.key(seed)
    k1, k2, k3 = jax.random.split(key, 3)
    hidden_states = jax.random.normal(k1, (B, S, HIDDEN), dtype=jnp.float32)
    W_proj = jax.random.normal(k2, (HIDDEN, NUM_GROUPS * NUM_VARS), dtype=jnp.float32) * 0.02
    b_proj = jnp.zeros((NUM_GROUPS * NUM_VARS,), dtype=jnp.float32)
    codevectors = jax.random.normal(k3, (1, NUM_GROUPS * NUM_VARS, CODEVECTOR_DIM // NUM_GROUPS), dtype=jnp.float32)
    return {"hidden_states": hidden_states, "W_proj": W_proj, "b_proj": b_proj, "codevectors": codevectors}


def reference(hidden_states, W_proj, b_proj, codevectors):
    # eval-mode forward (deterministic): argmax hard one-hot quantization
    batch_size, seq_len, hidden_size = hidden_states.shape
    hs = hidden_states @ W_proj + b_proj  # [B, S, G*V]
    hs = hs.reshape(batch_size * seq_len * NUM_GROUPS, -1)  # [B*S*G, V]
    codevector_idx = jnp.argmax(hs, axis=-1)
    codevector_probs = jax.nn.one_hot(codevector_idx, NUM_VARS, dtype=hs.dtype)  # [B*S*G, V]
    probs_g = codevector_probs.reshape(batch_size * seq_len, NUM_GROUPS, -1)
    # perplexity (no mask)
    marginal_probs = probs_g.mean(axis=0)
    perplexity_per_codebook = jnp.exp(-jnp.sum(marginal_probs * jnp.log(marginal_probs + 1e-07), axis=-1))
    perplexity = perplexity_per_codebook.sum()
    # combine codevectors
    cp = probs_g.reshape(batch_size * seq_len, -1)  # [B*S, G*V]
    codevectors_per_group = cp[:, :, None] * codevectors  # [B*S, G*V, d]
    cv = codevectors_per_group.reshape(batch_size * seq_len, NUM_GROUPS, NUM_VARS, -1)
    cv = cv.sum(axis=-2)
    cv = cv.reshape(batch_size, seq_len, -1)
    return (cv, perplexity)

if __name__ == "__main__":
    import jax
    _d = setup_inputs()
    print(jax.jit(kernel)(*tuple(_d.values())))

</pallas_src>

<mosaic_0001>
#map = affine_map<(d0, d1) -> (0, 0)>
#map1 = affine_map<(d0, d1) -> (0, 0, 0)>
module attributes {stable_mosaic.version = 14 : i64} {
  func.func @_sc_gather(%arg0: i32, %arg1: i32, %arg2: memref<640x128xf32, #tpu.memory_space<hbm>>, %arg3: memref<2x2048xi32, #tpu.memory_space<hbm>>, %arg4: memref<2048x2x128xf32, #tpu.memory_space<hbm>>, %arg5: memref<128xi32, #tpu.memory_space<vmem>>, %arg6: memref<128x128xf32, #tpu.memory_space<vmem>>, %arg7: memref<!tpu.dma_semaphore, #tpu.memory_space<semaphore_mem>>) attributes {dimension_semantics = [#tpu.dimension_semantics<core_parallel>, #tpu.dimension_semantics<subcore_parallel>], iteration_bounds = array<i64: 2, 16>, scalar_prefetch = 0 : i64, scratch_operands = 3 : i64, tpu.core_type = #tpu.core_type<sc_vector_subcore>, window_params = [{transform_indices = #map}, {transform_indices = #map}, {transform_indices = #map1}]} {
    %mul3A = arith.constant 2 : i32
    %mul3A_0 = arith.muli %arg1, %mul3A : i32
    %add3A = arith.addi %mul3A_0, %arg0 : i32
    %and3A = arith.constant 1 : i32
    %and3A_1 = arith.andi %add3A, %and3A : i32
    %shift_right_arithmetic3A = arith.constant 1 : i32
    %shift_right_arithmetic3A_2 = arith.shrsi %add3A, %shift_right_arithmetic3A : i32
    %mul3A_3 = arith.constant 128 : i32
    %mul3A_4 = arith.muli %shift_right_arithmetic3A_2, %mul3A_3 : i32
    "tpu.region"() ({
      %run_scoped3A = tpu.sem_alloc : memref<!tpu.dma_semaphore, #tpu.memory_space<semaphore_mem>>
      %dma_start3A_9 = tpu.memref_slice %arg3[%and3A_1, %mul3A_4] : memref<2x2048xi32, #tpu.memory_space<hbm>> -> memref<1x128xi32, #tpu.memory_space<hbm>>
      %dma_start3A_10 = tpu.memref_squeeze %dma_start3A_9 : memref<1x128xi32, #tpu.memory_space<hbm>> -> memref<128xi32, #tpu.memory_space<hbm>>
      %dma_start3A_11 = tpu.memref_slice %arg3[%and3A_1, %mul3A_4] : memref<2x2048xi32, #tpu.memory_space<hbm>> -> memref<1x128xi32, #tpu.memory_space<hbm>>
      %dma_start3A_12 = tpu.memref_squeeze %dma_start3A_11 : memref<1x128xi32, #tpu.memory_space<hbm>> -> memref<128xi32, #tpu.memory_space<hbm>>
      tpu.enqueue_dma source(%dma_start3A_12 : memref<128xi32, #tpu.memory_space<hbm>>) target(%arg5 : memref<128xi32, #tpu.memory_space<vmem>>) target_semaphore(%run_scoped3A : memref<!tpu.dma_semaphore, #tpu.memory_space<semaphore_mem>>)
      %dma_wait3A_13 = tpu.memref_slice %arg3[%and3A_1, %mul3A_4] : memref<2x2048xi32, #tpu.memory_space<hbm>> -> memref<1x128xi32, #tpu.memory_space<hbm>>
      %dma_wait3A_14 = tpu.memref_squeeze %dma_wait3A_13 : memref<1x128xi32, #tpu.memory_space<hbm>> -> memref<128xi32, #tpu.memory_space<hbm>>
      %dma_wait3A_15 = tpu.memref_slice %arg3[%and3A_1, %mul3A_4] : memref<2x2048xi32, #tpu.memory_space<hbm>> -> memref<1x128xi32, #tpu.memory_space<hbm>>
      %dma_wait3A_16 = tpu.memref_squeeze %dma_wait3A_15 : memref<1x128xi32, #tpu.memory_space<hbm>> -> memref<128xi32, #tpu.memory_space<hbm>>
      tpu.wait_dma2 semaphore(%run_scoped3A : memref<!tpu.dma_semaphore, #tpu.memory_space<semaphore_mem>>) src(%dma_wait3A_16 : memref<128xi32, #tpu.memory_space<hbm>>) dst(%arg5 : memref<128xi32, #tpu.memory_space<vmem>>)
      tpu.yield
    }) : () -> ()
    %dma_start3A = arith.constant 0 : i32
    %dma_start3A_5 = arith.constant 0 : i32
    %dma_start3A_6 = tpu.memref_slice %arg2[%dma_start3A, %dma_start3A_5] : memref<640x128xf32, #tpu.memory_space<hbm>> -> memref<640x128xf32, #tpu.memory_space<hbm>>
    tpu.enqueue_indirect_dma source(%dma_start3A_6 : memref<640x128xf32, #tpu.memory_space<hbm>>) target(%arg6 : memref<128x128xf32, #tpu.memory_space<vmem>>) offsets(%arg5 : memref<128xi32, #tpu.memory_space<vmem>>) semaphore(%arg7 : memref<!tpu.dma_semaphore, #tpu.memory_space<semaphore_mem>>)
    %dma_wait3A = arith.constant 0 : i32
    %dma_wait3A_7 = arith.constant 0 : i32
    %dma_wait3A_8 = tpu.memref_slice %arg2[%dma_wait3A, %dma_wait3A_7] : memref<640x128xf32, #tpu.memory_space<hbm>> -> memref<640x128xf32, #tpu.memory_space<hbm>>
    tpu.wait_indirect_dma semaphore(%arg7 : memref<!tpu.dma_semaphore, #tpu.memory_space<semaphore_mem>>) src(%dma_wait3A_8 : memref<640x128xf32, #tpu.memory_space<hbm>>) dst(%arg6 : memref<128x128xf32, #tpu.memory_space<vmem>>)
    "tpu.region"() ({
      %run_scoped3A = tpu.sem_alloc : memref<!tpu.dma_semaphore, #tpu.memory_space<semaphore_mem>>
      %dma_start3A_9 = arith.constant 0 : i32
      %dma_start3A_10 = tpu.memref_slice %arg4[%mul3A_4, %and3A_1, %dma_start3A_9] : memref<2048x2x128xf32, #tpu.memory_space<hbm>> -> memref<128x1x128xf32, #tpu.memory_space<hbm>>
      %dma_start3A_11 = tpu.memref_squeeze %dma_start3A_10 : memref<128x1x128xf32, #tpu.memory_space<hbm>> -> memref<128x128xf32, #tpu.memory_space<hbm>>
      %dma_start3A_12 = arith.constant 0 : i32
      %dma_start3A_13 = tpu.memref_slice %arg4[%mul3A_4, %and3A_1, %dma_start3A_12] : memref<2048x2x128xf32, #tpu.memory_space<hbm>> -> memref<128x1x128xf32, #tpu.memory_space<hbm>>
      %dma_start3A_14 = tpu.memref_squeeze %dma_start3A_13 : memref<128x1x128xf32, #tpu.memory_space<hbm>> -> memref<128x128xf32, #tpu.memory_space<hbm>>
      tpu.enqueue_dma source(%arg6 : memref<128x128xf32, #tpu.memory_space<vmem>>) target(%dma_start3A_14 : memref<128x128xf32, #tpu.memory_space<hbm>>) target_semaphore(%run_scoped3A : memref<!tpu.dma_semaphore, #tpu.memory_space<semaphore_mem>>)
      %dma_wait3A_15 = arith.constant 0 : i32
      %dma_wait3A_16 = tpu.memref_slice %arg4[%mul3A_4, %and3A_1, %dma_wait3A_15] : memref<2048x2x128xf32, #tpu.memory_space<hbm>> -> memref<128x1x128xf32, #tpu.memory_space<hbm>>
      %dma_wait3A_17 = tpu.memref_squeeze %dma_wait3A_16 : memref<128x1x128xf32, #tpu.memory_space<hbm>> -> memref<128x128xf32, #tpu.memory_space<hbm>>
      %dma_wait3A_18 = arith.constant 0 : i32
      %dma_wait3A_19 = tpu.memref_slice %arg4[%mul3A_4, %and3A_1, %dma_wait3A_18] : memref<2048x2x128xf32, #tpu.memory_space<hbm>> -> memref<128x1x128xf32, #tpu.memory_space<hbm>>
      %dma_wait3A_20 = tpu.memref_squeeze %dma_wait3A_19 : memref<128x1x128xf32, #tpu.memory_space<hbm>> -> memref<128x128xf32, #tpu.memory_space<hbm>>
      tpu.wait_dma2 semaphore(%run_scoped3A : memref<!tpu.dma_semaphore, #tpu.memory_space<semaphore_mem>>) src(%arg6 : memref<128x128xf32, #tpu.memory_space<vmem>>) dst(%dma_wait3A_20 : memref<128x128xf32, #tpu.memory_space<hbm>>)
      tpu.yield
    }) : () -> ()
    return
  }
}

module attributes {stable_mosaic.version = 14 : i64} {
  func.func @_tc_body(%arg0: i32, %arg1: memref<1024x512xf32, #tpu.memory_space<vmem>>, %arg2: memref<512x640xf32, #tpu.memory_space<vmem>>, %arg3: memref<1x640xf32, #tpu.memory_space<vmem>>, %arg4: memref<2x1024xi32, #tpu.memory_space<vmem>>, %arg5: memref<1x1xf32, #tpu.memory_space<vmem>>, %arg6: memref<1x640xf32, #tpu.memory_space<vmem>>) attributes {dimension_semantics = [#tpu.dimension_semantics<arbitrary>], iteration_bounds = array<i64: 2>, scalar_prefetch = 0 : i64, scratch_operands = 1 : i64, tpu.core_type = #tpu.core_type<tc>, window_params = [{transform_indices = @transform_0, window_bounds = array<i64: 1024, 512>}, {pipeline_mode = #tpu.pipeline_mode<synchronous>, transform_indices = @transform_1, window_bounds = array<i64: 512, 640>}, {pipeline_mode = #tpu.pipeline_mode<synchronous>, transform_indices = @transform_2, window_bounds = array<i64: 1, 640>}, {transform_indices = @transform_3, window_bounds = array<i64: 2, 1024>}, {pipeline_mode = #tpu.pipeline_mode<synchronous>, transform_indices = @transform_4, window_bounds = array<i64: 1, 1>}]} {
    %get3A = arith.constant 0 : index
    %get3A_0 = arith.constant 0 : index
    %get3A_1 = vector.load %arg1[%get3A, %get3A_0] : memref<1024x512xf32, #tpu.memory_space<vmem>>, vector<1024x512xf32>
    %get3A_2 = arith.constant 0 : index
    %get3A_3 = arith.constant 0 : index
    %get3A_4 = vector.load %arg2[%get3A_2, %get3A_3] : memref<512x640xf32, #tpu.memory_space<vmem>>, vector<512x640xf32>
    %dot_general3A = arith.constant dense<0.000000e+00> : vector<1024x640xf32>
    %dot_general3A_5 = tpu.matmul %get3A_1, %get3A_4, %dot_general3A {dimension_numbers = #tpu.dot_dimension_numbers<[1], [0], [0], [1], [0, 0, 1, 1], [], []>, transpose_lhs_hint = false} : vector<1024x512xf32>, vector<512x640xf32>, vector<1024x640xf32> -> vector<1024x640xf32>
    %get3A_6 = arith.constant 0 : index
    %get3A_7 = arith.constant 0 : index
    %get3A_8 = vector.load %arg3[%get3A_6, %get3A_7] : memref<1x640xf32, #tpu.memory_space<vmem>>, vector<1x640xf32>
    %add3A = vector.broadcast %get3A_8 : vector<1x640xf32> to vector<1024x640xf32>
    %add3A_9 = arith.addf %dot_general3A_5, %add3A : vector<1024x640xf32>
    %iota3A = tpu.iota {dimensions = array<i32: 1>} : vector<1024x640xi32>
    %lt3A = arith.constant 320 : i32
    %lt3A_10 = vector.broadcast %lt3A : i32 to vector<1024x640xi32>
    %lt3A_11 = arith.cmpi slt, %iota3A, %lt3A_10 : vector<1024x640xi32>
    %jit3A = arith.constant 0xFF800000 : f32
    %broadcast_in_dim3A = vector.broadcast %jit3A : f32 to vector<1024x640xf32>
    %select_n3A = arith.select %lt3A_11, %add3A_9, %broadcast_in_dim3A : vector<1024x640xi1>, vector<1024x640xf32>
    %reduce_max3A = arith.constant dense<0xFF800000> : vector<1024xf32>
    %reduce_max3A_12 = vector.multi_reduction <maximumf>, %select_n3A, %reduce_max3A [1] : vector<1024x640xf32> to vector<1024xf32>
    %broadcast_in_dim3A_13 = vector.shape_cast %reduce_max3A_12 : vector<1024xf32> to vector<1024x1xf32>
    %jit3A_14 = arith.constant 0xFF800000 : f32
    %broadcast_in_dim3A_15 = vector.broadcast %jit3A_14 : f32 to vector<1024x640xf32>
    %select_n3A_16 = arith.select %lt3A_11, %broadcast_in_dim3A_15, %add3A_9 : vector<1024x640xi1>, vector<1024x640xf32>
    %reduce_max3A_17 = arith.constant dense<0xFF800000> : vector<1024xf32>
    %reduce_max3A_18 = vector.multi_reduction <maximumf>, %select_n3A_16, %reduce_max3A_17 [1] : vector<1024x640xf32> to vector<1024xf32>
    %broadcast_in_dim3A_19 = vector.shape_cast %reduce_max3A_18 : vector<1024xf32> to vector<1024x1xf32>
    %eq3A = vector.broadcast %broadcast_in_dim3A_13 : vector<1024x1xf32> to vector<1024x640xf32>
    %eq3A_20 = arith.cmpf oeq, %add3A_9, %eq3A : vector<1024x640xf32>
    %and3A = arith.andi %lt3A_11, %eq3A_20 : vector<1024x640xi1>
    %jit3A_21 = arith.constant 1073741824 : i32
    %broadcast_in_dim3A_22 = vector.broadcast %jit3A_21 : i32 to vector<1024x640xi32>
    %select_n3A_23 = arith.select %and3A, %iota3A, %broadcast_in_dim3A_22 : vector<1024x640xi1>, vector<1024x640xi32>
    %reduce_min3A = arith.constant dense<2147483647> : vector<1024xi32>
    %reduce_min3A_24 = vector.multi_reduction <minsi>, %select_n3A_23, %reduce_min3A [1] : vector<1024x640xi32> to vector<1024xi32>
    %broadcast_in_dim3A_25 = vector.shape_cast %reduce_min3A_24 : vector<1024xi32> to vector<1024x1xi32>
    %not3A = arith.constant dense<true> : vector<1024x640xi1>
    %not3A_26 = arith.xori %lt3A_11, %not3A : vector<1024x640xi1>
    %eq3A_27 = vector.broadcast %broadcast_in_dim3A_19 : vector<1024x1xf32> to vector<1024x640xf32>
    %eq3A_28 = arith.cmpf oeq, %add3A_9, %eq3A_27 : vector<1024x640xf32>
    %and3A_29 = arith.andi %not3A_26, %eq3A_28 : vector<1024x640xi1>
    %jit3A_30 = arith.constant 1073741824 : i32
    %broadcast_in_dim3A_31 = vector.broadcast %jit3A_30 : i32 to vector<1024x640xi32>
    %select_n3A_32 = arith.select %and3A_29, %iota3A, %broadcast_in_dim3A_31 : vector<1024x640xi1>, vector<1024x640xi32>
    %reduce_min3A_33 = arith.constant dense<2147483647> : vector<1024xi32>
    %reduce_min3A_34 = vector.multi_reduction <minsi>, %select_n3A_32, %reduce_min3A_33 [1] : vector<1024x640xi32> to vector<1024xi32>
    %broadcast_in_dim3A_35 = vector.shape_cast %reduce_min3A_34 : vector<1024xi32> to vector<1024x1xi32>
    %concatenate3A = tpu.concatenate %broadcast_in_dim3A_25, %broadcast_in_dim3A_35 in 1 : vector<1024x1xi32>, vector<1024x1xi32> -> vector<1024x2xi32>
    %transpose3A = tpu.transpose %concatenate3A, [1, 0] : vector<1024x2xi32> -> vector<2x1024xi32>
    %swap3A = arith.constant 0 : index
    %swap3A_36 = arith.constant 0 : index
    %swap3A_37 = vector.load %arg4[%swap3A, %swap3A_36] : memref<2x1024xi32, #tpu.memory_space<vmem>>, vector<2x1024xi32>
    tpu.vector_store %arg4[%swap3A, %swap3A_36], %transpose3A {strides = array<i32>} : memref<2x1024xi32, #tpu.memory_space<vmem>>, vector<2x1024xi32>,
    %eq3A_38 = vector.broadcast %broadcast_in_dim3A_25 : vector<1024x1xi32> to vector<1024x640xi32>
    %eq3A_39 = arith.cmpi eq, %iota3A, %eq3A_38 : vector<1024x640xi32>
    %eq3A_40 = vector.broadcast %broadcast_in_dim3A_35 : vector<1024x1xi32> to vector<1024x640xi32>
    %eq3A_41 = arith.cmpi eq, %iota3A, %eq3A_40 : vector<1024x640xi32>
    %or3A = arith.ori %eq3A_39, %eq3A_41 : vector<1024x640xi1>
    %convert_element_type3A = arith.extui %or3A : vector<1024x640xi1> to vector<1024x640xi32>
    %convert_element_type3A_42 = arith.sitofp %convert_element_type3A : vector<1024x640xi32> to vector<1024x640xf32>
    %reduce_sum3A = arith.constant dense<0.000000e+00> : vector<640xf32>
    %reduce_sum3A_43 = vector.multi_reduction <add>, %convert_element_type3A_42, %reduce_sum3A [0] : vector<1024x640xf32> to vector<640xf32>
    %broadcast_in_dim3A_44 = vector.shape_cast %reduce_sum3A_43 : vector<640xf32> to vector<1x640xf32>
    %eq3A_45 = arith.constant 0 : i32
    %eq3A_46 = arith.cmpi eq, %arg0, %eq3A_45 : i32
    %convert_element_type3A_47 = arith.extui %eq3A_46 : i1 to i32
    %cond3A = arith.constant 0 : i32
    %cond3A_48 = arith.cmpi ne, %convert_element_type3A_47, %cond3A : i32
    scf.if %cond3A_48 {
      %swap3A_58 = arith.constant 0 : index
      %swap3A_59 = arith.constant 0 : index
      %swap3A_60 = vector.load %arg6[%swap3A_58, %swap3A_59] : memref<1x640xf32, #tpu.memory_space<vmem>>, vector<1x640xf32>
      tpu.vector_store %arg6[%swap3A_58, %swap3A_59], %broadcast_in_dim3A_44 {strides = array<i32>} : memref<1x640xf32, #tpu.memory_space<vmem>>, vector<1x640xf32>,
    } else {
    }
    %gt3A = arith.constant 0 : i32
    %gt3A_49 = arith.cmpi sgt, %arg0, %gt3A : i32
    %convert_element_type3A_50 = arith.extui %gt3A_49 : i1 to i32
    %cond3A_51 = arith.constant 0 : i32
    %cond3A_52 = arith.cmpi ne, %convert_element_type3A_50, %cond3A_51 : i32
    scf.if %cond3A_52 {
      %get3A_58 = arith.constant 0 : index
      %get3A_59 = arith.constant 0 : index
      %get3A_60 = vector.load %arg6[%get3A_58, %get3A_59] : memref<1x640xf32, #tpu.memory_space<vmem>>, vector<1x640xf32>
      %add3A_61 = arith.addf %get3A_60, %broadcast_in_dim3A_44 : vector<1x640xf32>
      %swap3A_62 = arith.constant 0 : index
      %swap3A_63 = arith.constant 0 : index
      %swap3A_64 = vector.load %arg6[%swap3A_62, %swap3A_63] : memref<1x640xf32, #tpu.memory_space<vmem>>, vector<1x640xf32>
      tpu.vector_store %arg6[%swap3A_62, %swap3A_63], %add3A_61 {strides = array<i32>} : memref<1x640xf32, #tpu.memory_space<vmem>>, vector<1x640xf32>,
    } else {
    }
    %eq3A_53 = arith.constant 1 : i32
    %eq3A_54 = arith.cmpi eq, %arg0, %eq3A_53 : i32
    %convert_element_type3A_55 = arith.extui %eq3A_54 : i1 to i32
    %cond3A_56 = arith.constant 0 : i32
    %cond3A_57 = arith.cmpi ne, %convert_element_type3A_55, %cond3A_56 : i32
    scf.if %cond3A_57 {
      %get3A_58 = arith.constant 0 : index
      %get3A_59 = arith.constant 0 : index
      %get3A_60 = vector.load %arg6[%get3A_58, %get3A_59] : memref<1x640xf32, #tpu.memory_space<vmem>>, vector<1x640xf32>
      %mul3A = arith.constant 4.8828125E-4 : f32
      %mul3A_61 = vector.broadcast %mul3A : f32 to vector<1x640xf32>
      %mul3A_62 = arith.mulf %get3A_60, %mul3A_61 : vector<1x640xf32>
      %add3A_63 = arith.constant 1.000000e-07 : f32
      %add3A_64 = vector.broadcast %add3A_63 : f32 to vector<1x640xf32>
      %add3A_65 = arith.addf %mul3A_62, %add3A_64 : vector<1x640xf32>
      %log3A = math.log %add3A_65 : vector<1x640xf32>
      %mul3A_66 = arith.mulf %mul3A_62, %log3A : vector<1x640xf32>
      %iota3A_67 = tpu.iota {dimensions = array<i32: 1>} : vector<1x640xi32>
      %lt3A_68 = arith.constant 320 : i32
      %lt3A_69 = vector.broadcast %lt3A_68 : i32 to vector<1x640xi32>
      %lt3A_70 = arith.cmpi slt, %iota3A_67, %lt3A_69 : vector<1x640xi32>
      %jit3A_71 = arith.constant 0.000000e+00 : f32
      %broadcast_in_dim3A_72 = vector.broadcast %jit3A_71 : f32 to vector<1x640xf32>
      %select_n3A_73 = arith.select %lt3A_70, %mul3A_66, %broadcast_in_dim3A_72 : vector<1x640xi1>, vector<1x640xf32>
      %reduce_sum3A_74 = arith.constant dense<0.000000e+00> : vector<1xf32>
      %reduce_sum3A_75 = vector.multi_reduction <add>, %select_n3A_73, %reduce_sum3A_74 [1] : vector<1x640xf32> to vector<1xf32>
      %broadcast_in_dim3A_76 = vector.shape_cast %reduce_sum3A_75 : vector<1xf32> to vector<1x1xf32>
      %neg3A = arith.constant 0.000000e+00 : f32
      %neg3A_77 = vector.broadcast %neg3A : f32 to vector<1x1xf32>
      %neg3A_78 = arith.subf %neg3A_77, %broadcast_in_dim3A_76 : vector<1x1xf32>
      %ge3A = arith.constant 320 : i32
      %ge3A_79 = vector.broadcast %ge3A : i32 to vector<1x640xi32>
      %ge3A_80 = arith.cmpi sge, %iota3A_67, %ge3A_79 : vector<1x640xi32>
      %jit3A_81 = arith.constant 0.000000e+00 : f32
      %broadcast_in_dim3A_82 = vector.broadcast %jit3A_81 : f32 to vector<1x640xf32>
      %select_n3A_83 = arith.select %ge3A_80, %mul3A_66, %broadcast_in_dim3A_82 : vector<1x640xi1>, vector<1x640xf32>
      %reduce_sum3A_84 = arith.constant dense<0.000000e+00> : vector<1xf32>
      %reduce_sum3A_85 = vector.multi_reduction <add>, %select_n3A_83, %reduce_sum3A_84 [1] : vector<1x640xf32> to vector<1xf32>
      %broadcast_in_dim3A_86 = vector.shape_cast %reduce_sum3A_85 : vector<1xf32> to vector<1x1xf32>
      %neg3A_87 = arith.constant 0.000000e+00 : f32
      %neg3A_88 = vector.broadcast %neg3A_87 : f32 to vector<1x1xf32>
      %neg3A_89 = arith.subf %neg3A_88, %broadcast_in_dim3A_86 : vector<1x1xf32>
      %exp3A = math.exp %neg3A_78 : vector<1x1xf32>
      %exp3A_90 = math.exp %neg3A_89 : vector<1x1xf32>
      %add3A_91 = arith.addf %exp3A, %exp3A_90 : vector<1x1xf32>
      %swap3A_92 = arith.constant 0 : index
      %swap3A_93 = arith.constant 0 : index
      %swap3A_94 = vector.load %arg5[%swap3A_92, %swap3A_93] : memref<1x1xf32, #tpu.memory_space<vmem>>, vector<1x1xf32>
      tpu.vector_store %arg5[%swap3A_92, %swap3A_93], %add3A_91 {strides = array<i32>} : memref<1x1xf32, #tpu.memory_space<vmem>>, vector<1x1xf32>,
    } else {
    }
    return
  }
  func.func @transform_0(%arg0: i32) -> (i32, i32) {
    %c0_i32 = arith.constant 0 : i32
    %c0_i32_0 = arith.constant 0 : i32
    return %arg0, %c0_i32 : i32, i32
  }
  func.func @transform_1(%arg0: i32) -> (i32, i32) {
    %c0_i32 = arith.constant 0 : i32
    %c0_i32_0 = arith.constant 0 : i32
    %c0_i32_1 = arith.constant 0 : i32
    return %c0_i32, %c0_i32_0 : i32, i32
  }
  func.func @transform_2(%arg0: i32) -> (i32, i32) {
    %c0_i32 = arith.constant 0 : i32
    %c0_i32_0 = arith.constant 0 : i32
    %c0_i32_1 = arith.constant 0 : i32
    return %c0_i32, %c0_i32_0 : i32, i32
  }
  func.func @transform_3(%arg0: i32) -> (i32, i32) {
    %c0_i32 = arith.constant 0 : i32
    %c0_i32_0 = arith.constant 0 : i32
    return %c0_i32, %arg0 : i32, i32
  }
  func.func @transform_4(%arg0: i32) -> (i32, i32) {
    %c0_i32 = arith.constant 0 : i32
    %c0_i32_0 = arith.constant 0 : i32
    %c0_i32_1 = arith.constant 0 : i32
    return %c0_i32, %c0_i32_0 : i32, i32
  }
}

</mosaic_0001>

<sc_bundles>
// kernel: kernel.4.cloned.1.call-start
scs
__scs_entry_jumppad:
0x0: {  	(pc) =	sbr.rel $0x88, $3  }
0x1: {  	(tag) =	ssettag $0x0;
	lr =	simm.s32 $0x1  }
0x2: {  	[smem:$0x3F9D] =	sst lr;
	_ =	strace $0xD0000000  }
0x3: {  	_ = 	snop  }
0x4: {  	_ = 	snop  }
0x5: {  	_ = 	snop  }
0x6: {  	_ = 	snop  }
0x7: {  	_ = 	snop  }
__scs_overlays_trampoline_lowered:
0x8: {  	[smem:$0x3FAC] =	sst s0  }
0x9: {  	[smem:$0x3FAD] =	sst s1  }
0xa: {  	[smem:$0x3FAE] =	sst s2  }
0xb: {  	[smem:$0x3FAF] =	sst s3  }
0xc: {  	[smem:$0x3FB0] =	sst s4  }
0xd: {  	[smem:$0x3FB1] =	sst s5  }
0xe: {  	[smem:$0x3FB2] =	sst s6  }
0xf: {  	[smem:$0x3FB3] =	sst s7  }
0x10: {  	[smem:$0x3FB4] =	sst s8  }
0x11: {  	[smem:$0x3FB5] =	sst s9;
	s0 =	simm.s32 @!p0 $0x0  }
0x12: {  	s1 =	sld [smem:$0x3F9B];
	s0 =	simm.s32 @p0 $0x1  }
0x13: {  	[smem:$0x3FB6] =	sst s0;
	s0 =	simm.s32 @!p1 $0x0  }
0x14: {  	s2 =	sld [smem:$0x3F9A];
	s0 =	simm.s32 @p1 $0x1  }
0x15: {  	[smem:$0x3FB7] =	sst s0;
	s0 =	simm.s32 @!p2 $0x0  }
0x16: {  	s3 =	sld [smem:$0x3FDB];
	s0 =	simm.s32 @p2 $0x1  }
0x17: {  	s4 =	simm.s32 $0x1BF5;
	[smem:$0x3FB9] =	sst s0  }
0x18: {  	s0 =	sld [smem:$0x3F9C];
	_ =	swait.ge [sflag:s4], $0x0  }
0x19: {  	s7 =	sld [smem:$0x3F9D]  }
0x1a: {  	s8 =	sadd.s32 $0xFFFFE003, lr  }
0x1b: {  	s9 =	sadd.s32 $0xFFFFFEF7, lr;
	s5 =	simm.s32 $0xFFFFFFFF;
	p2 =	slt.u32 s8, $0xFFFFF086  }
0x1c: {  	p1 =	slt.u32 s9, $0xF7A;
	s5 =	simm.s32 @!p2 $0x0  }
0x1d: {  	s5 =	simm.s32 @p1 $0x1;
	p0 =	seq.s32 s7, s2  }
0x1e: {  	s7 =	smul.u32 @!p0 $0xF7A, s2;
	p2 =	seq.s32 @!p0 s5, $0x0  }
0x1f: {  	s9 =	smul.u32 $0xF7A, s1;
	s8 =	simm.s32 @!p0 $0x1BF5;
	p2 =	por !p2, p0  }
0x20: {  	[sflag:s8] =	ssyncset.s32 @!p0 $0xFFFFF086;
	s6 =	sadd.s32 @!p0 s3, s7;
	s7 =	simm.s32 @!p0 $0x108  }
0x21: {  	s3 =	sadd.s32 s3, s9;
	s6 =	sadd.s32 @!p0 $0x88, s6;
	s7 =	simm.s32 @p2 $0x1082  }
0x22: {  	[simem:s7], [sflag:s8] =	dma.local @!p0 [hbm:s6], $0xF7A  }
0x23: {  	s9 =	sor.u32 $0xD0000000, s2;
	s6 =	simm.s32 $0x108;
	_ =	swait.ge @!p0 [sflag:s8], $0x0  }
0x24: {  	s3 =	sadd.s32 $0x88, s3;
	s6 =	simm.s32 @!p1 $0x1082;
	[sflag:s4] =	ssyncset.s32 $0xFFFFF086  }
0x25: {  	[simem:s6], [sflag:s4] =	dma.local [hbm:s3], $0xF7A  }
0x26: {  	[smem:$0x3F9D] =	sst s1;
	(tag) =	ssettag s2;
	_ =	strace s9  }
0x27: {  	s1 =	sld [smem:$0x3FAD]  }
0x28: {  	s2 =	sld [smem:$0x3FAE]  }
0x29: {  	s4 =	sld [smem:$0x3FB0]  }
0x2a: {  	p0 =	seq.s32 s5, $0x0;
	s5 =	sld [smem:$0x3FB1]  }
0x2b: {  	s6 =	sld [smem:$0x3FB2]  }
0x2c: {  	s7 =	sld [smem:$0x3FB3]  }
0x2d: {  	s3 =	simm.s32 $0x108;
	s8 =	sld [smem:$0x3FB4]  }
0x2e: {  	s3 =	simm.s32 @!p0 $0x1082;
	s9 =	sld [smem:$0x3FB5]  }
0x2f: {  	lr =	sadd.s32 s0, s3;
	s0 =	sld [smem:$0x3FAC]  }
0x30: {  	s3 =	sld [smem:$0x3FAF]  }
0x31: {  	[smem:$0x3FB8] =	sst s10  }
0x32: {  	s10 =	sld [smem:$0x3FB6];
	_ =	sdelay $0x3  }
0x33: {  	p0 =	seq.s32 s10, $0x1;
	s10 =	sld [smem:$0x3FB8];
	_ =	sdelay $0x3  }
0x34: {  	[smem:$0x3FB8] =	sst s10  }
0x35: {  	s10 =	sld [smem:$0x3FB7];
	_ =	sdelay $0x3  }
0x36: {  	p1 =	seq.s32 s10, $0x1;
	s10 =	sld [smem:$0x3FB8];
	_ =	sdelay $0x3  }
0x37: {  	[smem:$0x3FB8] =	sst s10  }
0x38: {  	s10 =	sld [smem:$0x3FB9]  }
0x39: {  	_ = 	snop;
	(pc) =	sbr.ind lr, $3  }
0x3a: {  	_ = 	snop  }
0x3b: {  	_ = 	snop  }
0x3c: {  	p2 =	seq.s32 s10, $0x1;
	s10 =	sld [smem:$0x3FB8]  }
0x3d: {  	_ =	shalt  }
0x3e: {  	_ =	shalt  }
0x3f: {  	_ =	shalt  }
0x40: {  	_ =	shalt  }
0x41: {  	_ =	shalt  }
0x42: {  	_ =	shalt  }
0x43: {  	_ =	shalt  }
0x44: {  	_ =	shalt  }
0x45: {  	_ =	shalt  }
0x46: {  	_ =	shalt  }
0x47: {  	_ =	shalt  }
0x48: {  	_ =	shalt  }
0x49: {  	_ =	shalt  }
0x4a: {  	_ =	shalt  }
0x4b: {  	_ =	shalt  }
0x4c: {  	_ =	shalt  }
0x4d: {  	_ =	shalt  }
0x4e: {  	_ =	shalt  }
0x4f: {  	_ =	shalt  }
0x50: {  	_ =	shalt  }
0x51: {  	_ =	shalt  }
0x52: {  	_ =	shalt  }
0x53: {  	_ =	shalt  }
0x54: {  	_ =	shalt  }
0x55: {  	_ =	shalt  }
0x56: {  	_ =	shalt  }
0x57: {  	_ =	shalt  }
0x58: {  	_ =	shalt  }
0x59: {  	_ =	shalt  }
0x5a: {  	_ =	shalt  }
0x5b: {  	_ =	shalt  }
0x5c: {  	_ =	shalt  }
0x5d: {  	_ =	shalt  }
0x5e: {  	_ =	shalt  }
0x5f: {  	_ =	shalt  }
0x60: {  	_ =	shalt  }
0x61: {  	_ =	shalt  }
0x62: {  	_ =	shalt  }
0x63: {  	_ =	shalt  }
0x64: {  	_ =	shalt  }
0x65: {  	_ =	shalt  }
0x66: {  	_ =	shalt  }
0x67: {  	_ =	shalt  }
0x68: {  	_ =	shalt  }
0x69: {  	_ =	shalt  }
0x6a: {  	_ =	shalt  }
0x6b: {  	_ =	shalt  }
0x6c: {  	_ =	shalt  }
0x6d: {  	_ =	shalt  }
0x6e: {  	_ =	shalt  }
0x6f: {  	_ =	shalt  }
0x70: {  	_ =	shalt  }
0x71: {  	_ =	shalt  }
0x72: {  	_ =	shalt  }
0x73: {  	_ =	shalt  }
0x74: {  	_ =	shalt  }
0x75: {  	_ =	shalt  }
0x76: {  	_ =	shalt  }
0x77: {  	_ =	shalt  }
0x78: {  	_ =	shalt  }
0x79: {  	_ =	shalt  }
0x7a: {  	_ =	shalt  }
0x7b: {  	_ =	shalt  }
0x7c: {  	_ =	shalt  }
0x7d: {  	_ =	shalt  }
0x7e: {  	_ =	shalt  }
0x7f: {  	_ =	shalt  }
0x80: {  	_ =	shalt  }
0x81: {  	_ =	shalt  }
0x82: {  	_ =	shalt  }
0x83: {  	_ =	shalt  }
0x84: {  	_ =	shalt  }
0x85: {  	_ =	shalt  }
0x86: {  	_ =	shalt  }
0x87: {  	_ =	shalt  }
.Lfunc_end0:
.L_simem_size_0:
called_computation_lowered:
.L_overlay_start_0:
0x88: {  	s2 =	sld [smem:$0x3FD9]  }
0x89: {  	s3 =	sld [smem:$0x3FFE];
	_ =	sdelay $0x1  }
0x8a: {  	s1 =	srdreg.scid  }
0x8b: {  	s0 =	sand.u32 $0x1, s1  }
0x8c: {  	s14 =	sshll.u32 s0, $0xA;
	s2 =	sadd.s32 s3, s2  }
0x8d: {  	s2 =	sadd.s32 s2, s14  }
0x8e: {  	[smem:$0x3FC4] =	sst s2  }
0x8f: {  	_ = 	snop  }
0x90: {  	s2 =	sld [smem:$0x3FD0];
	_ =	sdelay $0x2  }
0x91: {  	s4 =	simm.s32 $0xA;
	s5 =	simm.s32 $0x10;
	s15 =	sld [smem:$0x3FC6]  }
0x92: {  	[smem:s5], [sflag:s4] =	dma.local [hbm:s2], $0x1  }
0x93: {  	_ =	swait.eq [sflag:s4], $0x1  }
0x94: {  	[sflag:s4] =	ssyncset.done $0x0  }
0x95: {  	[sflag:s4] =	ssyncadd.s32 $0xFFFFFFFF  }
0x96: {  	s16 =	sld [smem:$0x10];
	(tm) =	ssettm $0x1  }
0x97: {  	s17 =	sld [smem:$0x3FFB];
	_ =	sdelay $0x3  }
0x98: {  	_ =	strace s17  }
0x99: {  	s4 =	sld [smem:$0x3FFC];
	_ =	sdelay $0x3  }
0x9a: {  	_ =	strace s4  }
0x9b: {  	s4 =	sld [smem:$0x3FFD];
	_ =	sdelay $0x3  }
0x9c: {  	_ =	strace s4  }
0x9d: {  	_ =	strace $0x8FFFFFFF  }
0x9e: {  	s18 =	sld [smem:$0x3FDB];
	_ =	sdelay $0x1  }
0x9f: {  	s19 =	simm.s32 $_scs_section_size  }
0xa0: {  	s6 =	simm.s32 $_size__tile_overlayer_lowered;
	s7 =	simm.s32 $_tile_overlayer_lowered  }
0xa1: {  	s22 =	simm.s32 $0x1BFF;
	s21 =	sshll.u32 s7, $0x1;
	s4 =	sadd.s32 s19, s18  }
0xa2: {  	s8 =	simm.s32 $0x0;
	s20 =	sshll.u32 s6, $0x1;
	s6 =	sadd.s32 s21, s4  }
0xa3: {  	[timem:s8], [sflag:s22] =	dma.local [hbm:s6], s20  }
0xa4: {  	_ =	swait.ge [sflag:s22], s20  }
0xa5: {  	s5 =	ssub.s32 $0x0, s20;
	[sflag:s22] =	ssyncset.done $0x0  }
0xa6: {  	[sflag:s22] =	ssyncadd.s32 s5;
	_ =	sdelay $0x1  }
0xa7: {  	s23 =	simm.s32 $0x1B8B  }
0xa8: {  	_ =	swait.ge [sflag:s23], $0x1  }
0xa9: {  	[sflag:s23] =	ssyncset.done $0x0  }
0xaa: {  	s25 =	simm.s32 $0x1B8E;
	s24 =	sld [smem:$0x3FFE];
	[sflag:s23] =	ssyncadd.s32 $0xFFFFFFFF  }
0xab: {  	s26 =	simm.s32 $execute0_lowered;
	[smem:$0x3FD2] =	sst s25  }
0xac: {  	s6 =	sshll.u32 s26, $0x1;
	_ =	strace $0x80000046;
	[dreg:$0x1] =	wrdreg $0xFFFFFFFF  }
0xad: {  	s28 =	simm.s32 $_size_execute0_lowered;
	s4 =	sadd.s32 s4, s6;
	[dreg:$0x0] =	wrdreg $0x0  }
0xae: {  	s6 =	sshll.u32 s28, $0x1;
	[dreg:$0x2] =	wrdreg s4  }
0xaf: {  	[dreg:$0x3] =	wrdreg s6  }
0xb0: {  	[dreg:$0x4] =	wrdreg $0xC0  }
0xb1: {  	_ =	task [dreg:s8], $0x5FFFF  }
0xb2: {  	[dreg:$0x1] =	wrdreg $0xFFFFFFFF  }
0xb3: {  	[dreg:$0x0] =	wrdreg $0x60  }
0xb4: {  	[dreg:$0x2] =	wrdreg s15  }
0xb5: {  	[dreg:$0x3] =	wrdreg s16  }
0xb6: {  	[dreg:$0x4] =	wrdreg s24  }
0xb7: {  	[dreg:$0x5] =	wrdreg $0x9  }
0xb8: {  	_ =	task.clear_ibuf [dreg:s8], $0x6FFFF;
	_ =	strace $0x90000046  }
0xb9: {  	s29 =	simm.s32 $0x9;
	_ =	strace $0x80000048  }
0xba: {  	_ =	swait.ge [sflag:s29], $0x1  }
0xbb: {  	[sflag:s29] =	ssyncadd.s32 $0xFFFFFFFF  }
0xbc: {  	_ =	strace $0x90000048  }
0xbd: {  	_ =	sfence  }
0xbe: {  	s30 =	sld [smem:$0x0];
	_ =	sdelay $0x2  }
0xbf: {  	s31 =	sshll.u32 s1, $0xD;
	s1 =	sshrl.u32 s1, $0x2  }
0xc0: {  	s3 =	sand.u32 $0x4000, s31;
	s1 =	sadd.s32 s1, s30  }
0xc1: {  	s0 =	sor.u32 s3, s0;
	s1 =	sshll.u32 s1, $0x11  }
0xc2: {  	s0 =	sor.u32 s1, s0  }
0xc3: {  	s0 =	sadd.s32 $0x8F2B, s0  }
0xc4: {  	[sflag:s0] =	ssyncadd.remote.s32 $0x1  }
0xc5: {  	_ =	sfence.sel $0xFFFF  }
0xc6: {  	[dreg:$0x0] =	wrdreg $0xFFFFFFFF;
	(pc) =	sbr.abs _section_cstart, $3  }
0xc7: {  	[dreg:$0x1] =	wrdreg $0xFFFFFFFF  }
0xc8: {  	_ =	task.clear_ibuf [dreg:s8], $0x2FFFF;
	_ =	strace $0x9FFFFFFF  }
0xc9: {  	(tm) =	ssettm $0x7FFFFFFF  }
tec
execute0_lowered:
.L_overlay_start_1:
0x0: {  	(tag) =	ssettag $0x1  }
0x1: {  	s2 =	rddreg [dreg:$0x0]  }
0x2: {  	s4 =	rddreg [dreg:$0x1]  }
0x3: {  	s8 =	rddreg [dreg:$0x2]  }
0x4: {  	s3 =	srdreg.scid;
	s0 =	rddreg [dreg:$0x3]  }
0x5: {  	s1 =	stileid.u32;
	s6 =	sand.u32 $0x1, s3;
	s3 =	simm.s32 $0x0  }
0x6: {  	s5 =	sshll.u32 s1, $0x8;
	s9 =	sshll.u32 s1, $0xF;
	s7 =	sshll.u32 s6, $0x7  }
0x7: {  	[smem:$0x7FF] =	sst s3;
	s10 =	ssub.s32 $0x2, s6;
	s5 =	sor.u32 s7, s5  }
0x8: {  	s6 =	simm.s32 $0x80;
	_ =	strace $0x80000047;
	s5 =	sshrl.u32 s5, $0x3  }
0x9: {  	s7 =	sor.u32 s7, s9;
	s5 =	sadd.s32 s4, s5;
	s4 =	simm.s32 $0x2  }
0xa: {  	[tilespmem:s3], [sflag:$0x2] =	stream.linear.gather [hbm4b:s5+s3], $0x80, $0x38;
	[tilespmem:$0x4080] =	vst v63  }
0xb: {  	s31 =	sshrl.u32 s10, $0x1;
	s9 =	sshrl.u32 s7, $0x3;
	_ =	swait.ge [sflag:s4], $0x80  }
0xc: {  	s8 =	sadd.s32 s9, s8;
	s9 =	ssub.s32 s10, s31;
	[sflag:s4] =	ssyncset.done $0x0  }
0xd: {  	s7 =	simm.s32 $0x1;
	s10 =	smax.u32 s9, $0x1;
	[sflag:s4] =	ssyncadd.s32 $0xFFFFFF80  }
0xe: {  	[tilespmem:s6], [sflag:$0x1] =	stream.indirect.gather [hbm4b:s2+s6], $0x80, s3, s6, $0xb8;
	[tilespmem:$0x4080] =	vst v63  }
0xf: {  	p0 =	sne.s32 s10, $0x1;
	_ =	swait.ge [sflag:s7], $0x4000  }
.Ltmp0:
0x10: {  	[sflag:s7] =	ssyncset.done $0x0;
	(pc) =	sbr.rel @!p0 .LBB2_2-.Ltmp0, $4  }
0x11: {  	s8 =	sadd.s32 $0xC00, s8;
	s9 =	simm.s32 $0x100;
	[sflag:s7] =	ssyncadd.s32 $0xFFFFC000  }
0x12: {  	[hbm4b:s8+s6] =	stream.strided.scatter [tilespmem:s6], [sflag:$0x2], $0x4000, s9, s6, $0x38;
	[tilespmem:$0x4080] =	vst v63  }
0x13: {  	_ =	swait.ge [sflag:s4], $0x4000  }
0x14: {  	s10 =	sadd.s32 $0xFFFFFFFF, s10;
	[sflag:s4] =	ssyncset.done $0x0  }
.LBB2_1:
0x15: {  	p0 =	sne.s32 s10, $0x1;
	s10 =	sadd.s32 $0xFFFFFFFF, s10;
	[sflag:s4] =	ssyncadd.s32 $0xFFFFC000  }
0x16: {  	[tilespmem:s3], [sflag:$0x2] =	stream.linear.gather [hbm4b:s5+s3], $0x80, $0x38;
	[tilespmem:$0x4080] =	vst v63  }
0x17: {  	_ =	swait.ge [sflag:s4], $0x80  }
0x18: {  	[sflag:s4] =	ssyncset.done $0x0  }
0x19: {  	[sflag:s4] =	ssyncadd.s32 $0xFFFFFF80  }
0x1a: {  	[tilespmem:s6], [sflag:$0x1] =	stream.indirect.gather [hbm4b:s2+s6], $0x80, s3, s6, $0xb8;
	[tilespmem:$0x4080] =	vst v63  }
0x1b: {  	_ =	swait.ge [sflag:s7], $0x4000  }
.Ltmp1:
0x1c: {  	[sflag:s7] =	ssyncset.done $0x0;
	(pc) =	sbr.rel @p0 .LBB2_1-.Ltmp1, $4  }
0x1d: {  	[sflag:s7] =	ssyncadd.s32 $0xFFFFC000  }
0x1e: {  	[hbm4b:s8+s6] =	stream.strided.scatter [tilespmem:s6], [sflag:$0x2], $0x4000, s9, s6, $0x38;
	[tilespmem:$0x4080] =	vst v63  }
0x1f: {  	_ =	swait.ge [sflag:s4], $0x4000  }
0x20: {  	[sflag:s4] =	ssyncset.done $0x0  }
.LBB2_2:
0x21: {  	[sflag:s4] =	ssyncadd.s32 $0xFFFFC000  }
0x22: {  	_ =	sfence.sel $0x180000  }
0x23: {  	[bflag:$0x0] =	sbarrier.arrive $0xFFFF  }
0x24: {  	p0 =	sne.s32 s1, $0x0;
	_ =	strace $0x90000047  }
0x25: {  	s0 =	sadd.s32 @!p0 $0x100000, s0;
	[bflag:$0x2] =	sbarrier.arrive $0xFFFF  }
0x26: {  	[sflag:s0] =	ssyncadd.tile.s32 @!p0 $0x1;
	_ =	shalt  }
.Lfunc_end2:
_tile_overlayer_lowered:
.L_overlay_start_2:
0x27: {  	(tag) =	ssettag $0x2  }
0x28: {  	s0 =	rddreg [dreg:$0x0];
	s2 =	stileid.u32  }
0x29: {  	s1 =	rddreg [dreg:$0x1];
	p0 =	sne.s32 s2, $0x0  }
0x2a: {  	s3 =	rddreg [dreg:$0x2];
	[bflag:$0x3] =	sbarrier.arrive $0xFFFF;
	s2 =	simm.s32 @!p0 $0x1C02  }
0x2b: {  	[timem:s3], [sflag:s2] =	dma.local @!p0 [hbm:s0], s1  }
0x2c: {  	s0 =	simm.s32 @!p0 $0x2  }
0x2d: {  	_ =	swait.ge @!p0 [sflag:s0], s1  }
0x2e: {  	s1 =	ssub.s32 @!p0 $0x0, s1;
	[sflag:s0] =	ssyncset.done @!p0 $0x0  }
0x2f: {  	[sflag:s0] =	ssyncadd.s32 @!p0 s1  }
0x30: {  	[bflag:$0x3] =	sbarrier.arrive $0xFFFF  }
0x31: {  	_ =	shalt  }

</sc_bundles>
